<compile_context>
chip_gen: v7x
topology: tpu7x:2x2x1
jax: 0.10.2.dev20260603
libtpu: 0.0.44.dev20260713+nightly
codegen_flags: <defaults>
</compile_context>

<pallas_src>
import jax
import jax.numpy as jnp
from jax import lax
from jax.experimental import pallas as pl
from jax.experimental.pallas import tpu as pltpu
from jax.experimental.pallas import tpu_sc as plsc

_LANES = 16
_NC = 2
_NS = 16
_NW = _NC * _NS


def _gather_sparsecore(dendrites, WdT, U, C, SEQL):
    rows_per_w = U // _NW

    mesh = plsc.VectorSubcoreMesh(core_axis_name="c", subcore_axis_name="s")

    def body(d_hbm, wdt_hbm, g_hbm, wdt_v, d_v, g_v, sem_wdt, sem_d):
        wid = lax.axis_index("s") * _NC + lax.axis_index("c")
        base_u = wid * rows_per_w
        cp_wdt = pltpu.async_copy(
            wdt_hbm.at[pl.ds(base_u, rows_per_w), :], wdt_v, sem_wdt)
        cp_d = pltpu.async_copy(
            d_hbm.at[pl.ds(base_u, rows_per_w), :], d_v, sem_d)
        cp_wdt.wait()
        cp_d.wait()

        @plsc.parallel_loop(0, rows_per_w * C, step=_LANES, unroll=4)
        def _(i):
            r = i // C
            col = i - r * C
            r_vec = jnp.full((_LANES,), r, jnp.int32)
            d = d_v[r, pl.ds(col, _LANES)]
            g_v[r, pl.ds(col, _LANES)] = plsc.load_gather(wdt_v, [r_vec, d])

        pltpu.sync_copy(g_v, g_hbm.at[pl.ds(base_u, rows_per_w), :])

    return pl.kernel(
        body,
        out_type=jax.ShapeDtypeStruct((U, C), jnp.float32),
        mesh=mesh,
        compiler_params=pltpu.CompilerParams(needs_layout_passes=False),
        scratch_types=[
            pltpu.VMEM((rows_per_w, SEQL), jnp.float32),
            pltpu.VMEM((rows_per_w, C), jnp.int32),
            pltpu.VMEM((rows_per_w, C), jnp.float32),
            pltpu.SemaphoreType.DMA,
            pltpu.SemaphoreType.DMA,
        ],
    )(dendrites, WdT)


def _mm_body(x_ref, win_ref, g_ref, b_ref, o_ref):
    weff = jnp.maximum(win_ref[...], 5e-5) * g_ref[...]
    acc = lax.dot_general(
        x_ref[...], weff, (((1,), (1,)), ((), ())),
        preferred_element_type=jnp.float32,
    )
    o_ref[...] = jnp.maximum(acc + b_ref[...], 0.0)


def kernel(x, W_in, Wd, b, dendrites):
    B, C = x.shape
    U = W_in.shape[0]
    SEQL = Wd.shape[0]

    g = _gather_sparsecore(dendrites, Wd.T, U, C, SEQL)

    return pl.pallas_call(
        _mm_body,
        out_shape=jax.ShapeDtypeStruct((B, U), jnp.float32),
    )(x, W_in, g, b.reshape(1, U))

# --- scband reference (transcript-rebuilt; emitter-appended) ---
"""Pipeline reference for scband-dendriter-80152679678501 (READ-ONLY COPY).

The authoritative reference and input builder live on the scoring server;
editing this copy changes nothing except your own understanding.
"""

import jax, jax.numpy as jnp
import numpy as np

UNITS = 256
CONNECTIONS = 1024
DENDRITE_SIZE = 8
SEQL = CONNECTIONS // DENDRITE_SIZE  # 128 segments per unit (normal mode, even split)
BATCH = 256


def _make_dendrites(units, connections, dendrite_size, seed=0):
    # Faithful to dendriter.segmenter() with dendrite_conf='normal', bigger_dendrite=False,
    # version=1 (per-unit segment ids in [0, seql)).
    rng = np.random.RandomState(seed)
    seql = connections // dendrite_size
    out = np.empty((units, connections), dtype=np.int32)
    for u in range(units):
        perm = rng.permutation(connections)
        for g in range(seql):
            for idx in perm[dendrite_size * g:dendrite_size * (g + 1)]:
                out[u, idx] = g
    return out


def setup_inputs(seed: int = 0) -> dict:
    key = jax.random.key(seed)
    k1, k2, k3 = jax.random.split(key, 3)
    x = jax.random.normal(k1, (BATCH, CONNECTIONS), dtype=jnp.float32)
    # per-unit input weights (weight_twice=True), glorot-ish scale, min-value constraint applied
    W_in = jax.random.normal(k2, (UNITS, CONNECTIONS), dtype=jnp.float32) * np.sqrt(2.0 / (UNITS + CONNECTIONS))
    # dendrite weights, version=1 -> dwshape=[seql, units]
    Wd = jax.random.normal(k3, (SEQL, UNITS), dtype=jnp.float32) * np.sqrt(2.0 / (SEQL + UNITS))
    b = jnp.zeros((UNITS,), dtype=jnp.float32)
    dendrites = jnp.asarray(_make_dendrites(UNITS, CONNECTIONS, DENDRITE_SIZE), dtype=jnp.int32)
    return {"x": x, "W_in": W_in, "Wd": Wd, "b": b, "dendrites": dendrites}


def reference(x, W_in, Wd, b, dendrites):
    B, C = x.shape
    U = W_in.shape[0]
    seql = Wd.shape[0]
    # weight_twice: weight each input per unit first
    weighted = x[:, None, :] * jnp.maximum(W_in, 5e-5)[None, :, :]  # [B, U, C]
    # unsorted_segment_sum per unit: offset per-unit segment ids into a flat id space
    offsets = jnp.arange(U, dtype=dendrites.dtype)[:, None] * seql
    flat_ids = (dendrites + offsets).reshape(-1)                    # [U*C]
    flat = weighted.reshape(B, U * C).T                             # [U*C, B]
    seg = jax.ops.segment_sum(flat, flat_ids, num_segments=U * seql)  # [U*seql, B]
    seg = seg.reshape(U, seql, B)                                   # dendrite activations
    # second weighting: dendrite weights [seql, units], reduce over dendrites
    out = jnp.einsum('usb,su->bu', seg, Wd) + b[None, :]            # [B, U]
    return jax.nn.relu(out)

if __name__ == "__main__":
    import jax
    _d = setup_inputs()
    print(jax.jit(kernel)(*tuple(_d.values())))

</pallas_src>

<mosaic_0001>
#map = affine_map<(d0, d1) -> (0, 0)>
module attributes {stable_mosaic.version = 14 : i64} {
  func.func @body(%arg0: i32, %arg1: i32, %arg2: memref<256x1024xi32, #tpu.memory_space<hbm>>, %arg3: memref<256x128xf32, #tpu.memory_space<hbm>>, %arg4: memref<256x1024xf32, #tpu.memory_space<hbm>>, %arg5: memref<8x128xf32, #tpu.memory_space<vmem>>, %arg6: memref<8x1024xi32, #tpu.memory_space<vmem>>, %arg7: memref<8x1024xf32, #tpu.memory_space<vmem>>, %arg8: memref<!tpu.dma_semaphore, #tpu.memory_space<semaphore_mem>>, %arg9: memref<!tpu.dma_semaphore, #tpu.memory_space<semaphore_mem>>) attributes {dimension_semantics = [#tpu.dimension_semantics<core_parallel>, #tpu.dimension_semantics<subcore_parallel>], iteration_bounds = array<i64: 2, 16>, scalar_prefetch = 0 : i64, scratch_operands = 5 : i64, tpu.core_type = #tpu.core_type<sc_vector_subcore>, window_params = [{transform_indices = #map}, {transform_indices = #map}, {transform_indices = #map}]} {
    %mul3A = arith.constant 2 : i32
    %mul3A_0 = arith.muli %arg1, %mul3A : i32
    %add3A = arith.addi %mul3A_0, %arg0 : i32
    %mul3A_1 = arith.constant 8 : i32
    %mul3A_2 = arith.muli %add3A, %mul3A_1 : i32
    %dma_start3A = arith.constant 0 : i32
    %dma_start3A_3 = tpu.memref_slice %arg3[%mul3A_2, %dma_start3A] : memref<256x128xf32, #tpu.memory_space<hbm>> -> memref<8x128xf32, #tpu.memory_space<hbm>>
    %dma_start3A_4 = arith.constant 0 : i32
    %dma_start3A_5 = tpu.memref_slice %arg3[%mul3A_2, %dma_start3A_4] : memref<256x128xf32, #tpu.memory_space<hbm>> -> memref<8x128xf32, #tpu.memory_space<hbm>>
    tpu.enqueue_dma source(%dma_start3A_5 : memref<8x128xf32, #tpu.memory_space<hbm>>) target(%arg5 : memref<8x128xf32, #tpu.memory_space<vmem>>) target_semaphore(%arg8 : memref<!tpu.dma_semaphore, #tpu.memory_space<semaphore_mem>>)
    %dma_start3A_6 = arith.constant 0 : i32
    %dma_start3A_7 = tpu.memref_slice %arg2[%mul3A_2, %dma_start3A_6] : memref<256x1024xi32, #tpu.memory_space<hbm>> -> memref<8x1024xi32, #tpu.memory_space<hbm>>
    %dma_start3A_8 = arith.constant 0 : i32
    %dma_start3A_9 = tpu.memref_slice %arg2[%mul3A_2, %dma_start3A_8] : memref<256x1024xi32, #tpu.memory_space<hbm>> -> memref<8x1024xi32, #tpu.memory_space<hbm>>
    tpu.enqueue_dma source(%dma_start3A_9 : memref<8x1024xi32, #tpu.memory_space<hbm>>) target(%arg6 : memref<8x1024xi32, #tpu.memory_space<vmem>>) target_semaphore(%arg9 : memref<!tpu.dma_semaphore, #tpu.memory_space<semaphore_mem>>)
    %dma_wait3A = arith.constant 0 : i32
    %dma_wait3A_10 = tpu.memref_slice %arg3[%mul3A_2, %dma_wait3A] : memref<256x128xf32, #tpu.memory_space<hbm>> -> memref<8x128xf32, #tpu.memory_space<hbm>>
    %dma_wait3A_11 = arith.constant 0 : i32
    %dma_wait3A_12 = tpu.memref_slice %arg3[%mul3A_2, %dma_wait3A_11] : memref<256x128xf32, #tpu.memory_space<hbm>> -> memref<8x128xf32, #tpu.memory_space<hbm>>
    tpu.wait_dma2 semaphore(%arg8 : memref<!tpu.dma_semaphore, #tpu.memory_space<semaphore_mem>>) src(%dma_wait3A_12 : memref<8x128xf32, #tpu.memory_space<hbm>>) dst(%arg5 : memref<8x128xf32, #tpu.memory_space<vmem>>)
    %dma_wait3A_13 = arith.constant 0 : i32
    %dma_wait3A_14 = tpu.memref_slice %arg2[%mul3A_2, %dma_wait3A_13] : memref<256x1024xi32, #tpu.memory_space<hbm>> -> memref<8x1024xi32, #tpu.memory_space<hbm>>
    %dma_wait3A_15 = arith.constant 0 : i32
    %dma_wait3A_16 = tpu.memref_slice %arg2[%mul3A_2, %dma_wait3A_15] : memref<256x1024xi32, #tpu.memory_space<hbm>> -> memref<8x1024xi32, #tpu.memory_space<hbm>>
    tpu.wait_dma2 semaphore(%arg9 : memref<!tpu.dma_semaphore, #tpu.memory_space<semaphore_mem>>) src(%dma_wait3A_16 : memref<8x1024xi32, #tpu.memory_space<hbm>>) dst(%arg6 : memref<8x1024xi32, #tpu.memory_space<vmem>>)
    %parallel_loop3A = arith.constant 0 : i32
    %parallel_loop3A_17 = arith.constant 8192 : i32
    %parallel_loop3A_18 = arith.constant 16 : i32
    scf.for %parallel_loop3A_19 = %parallel_loop3A to %parallel_loop3A_17 step %parallel_loop3A_18  : i32 {
      %parallel_loop3A_20 = arith.constant 1024 : i32
      %parallel_loop3A_21 = arith.divsi %parallel_loop3A_19, %parallel_loop3A_20 : i32
      %parallel_loop3A_22 = arith.constant 0 : i32
      %parallel_loop3A_23 = arith.cmpi sgt, %parallel_loop3A_19, %parallel_loop3A_22 : i32
      %parallel_loop3A_24 = arith.extui %parallel_loop3A_23 : i1 to i32
      %parallel_loop3A_25 = arith.constant 0 : i32
      %parallel_loop3A_26 = arith.cmpi slt, %parallel_loop3A_19, %parallel_loop3A_25 : i32
      %parallel_loop3A_27 = arith.extui %parallel_loop3A_26 : i1 to i32
      %parallel_loop3A_28 = arith.subi %parallel_loop3A_24, %parallel_loop3A_27 : i32
      %parallel_loop3A_29 = arith.constant 0 : i32
      %parallel_loop3A_30 = arith.cmpi sgt, %parallel_loop3A_20, %parallel_loop3A_29 : i32
      %parallel_loop3A_31 = arith.extui %parallel_loop3A_30 : i1 to i32
      %parallel_loop3A_32 = arith.constant 0 : i32
      %parallel_loop3A_33 = arith.cmpi slt, %parallel_loop3A_20, %parallel_loop3A_32 : i32
      %parallel_loop3A_34 = arith.extui %parallel_loop3A_33 : i1 to i32
      %parallel_loop3A_35 = arith.subi %parallel_loop3A_31, %parallel_loop3A_34 : i32
      %parallel_loop3A_36 = arith.cmpi ne, %parallel_loop3A_28, %parallel_loop3A_35 : i32
      %parallel_loop3A_37 = arith.remsi %parallel_loop3A_19, %parallel_loop3A_20 : i32
      %parallel_loop3A_38 = arith.constant 0 : i32
      %parallel_loop3A_39 = arith.cmpi ne, %parallel_loop3A_37, %parallel_loop3A_38 : i32
      %parallel_loop3A_40 = arith.andi %parallel_loop3A_36, %parallel_loop3A_39 : i1
      %parallel_loop3A_41 = arith.constant 1 : i32
      %parallel_loop3A_42 = arith.subi %parallel_loop3A_21, %parallel_loop3A_41 : i32
      %parallel_loop3A_43 = arith.select %parallel_loop3A_40, %parallel_loop3A_42, %parallel_loop3A_21 : i32
      %parallel_loop3A_44 = arith.constant 1024 : i32
      %parallel_loop3A_45 = arith.muli %parallel_loop3A_43, %parallel_loop3A_44 : i32
      %parallel_loop3A_46 = arith.subi %parallel_loop3A_19, %parallel_loop3A_45 : i32
      %parallel_loop3A_47 = vector.broadcast %parallel_loop3A_43 : i32 to vector<16xi32>
      %parallel_loop3A_48 = arith.index_cast %parallel_loop3A_43 : i32 to index
      %parallel_loop3A_49 = arith.index_cast %parallel_loop3A_46 : i32 to index
      %parallel_loop3A_50 = tpu.vector_load %arg6[%parallel_loop3A_48, %parallel_loop3A_49] {strides = array<i32>} : memref<8x1024xi32, #tpu.memory_space<vmem>>, vector<16xi32>,
      %parallel_loop3A_51 = tpu.vector_load_idx %arg5[%parallel_loop3A_47, %parallel_loop3A_50] : memref<8x128xf32, #tpu.memory_space<vmem>>[vector<16xi32>, vector<16xi32>], vector<16xf32>,
      %parallel_loop3A_52 = arith.index_cast %parallel_loop3A_43 : i32 to index
      %parallel_loop3A_53 = arith.index_cast %parallel_loop3A_46 : i32 to index
      %parallel_loop3A_54 = tpu.vector_load %arg7[%parallel_loop3A_52, %parallel_loop3A_53] {strides = array<i32>} : memref<8x1024xf32, #tpu.memory_space<vmem>>, vector<16xf32>,
      tpu.vector_store %arg7[%parallel_loop3A_52, %parallel_loop3A_53], %parallel_loop3A_51 {strides = array<i32>} : memref<8x1024xf32, #tpu.memory_space<vmem>>, vector<16xf32>,
    } {sc.loop_unroll_factor = 4 : i64, sc.parallel_access}
    "tpu.region"() ({
      %run_scoped3A = tpu.sem_alloc : memref<!tpu.dma_semaphore, #tpu.memory_space<semaphore_mem>>
      %dma_start3A_19 = arith.constant 0 : i32
      %dma_start3A_20 = tpu.memref_slice %arg4[%mul3A_2, %dma_start3A_19] : memref<256x1024xf32, #tpu.memory_space<hbm>> -> memref<8x1024xf32, #tpu.memory_space<hbm>>
      %dma_start3A_21 = arith.constant 0 : i32
      %dma_start3A_22 = tpu.memref_slice %arg4[%mul3A_2, %dma_start3A_21] : memref<256x1024xf32, #tpu.memory_space<hbm>> -> memref<8x1024xf32, #tpu.memory_space<hbm>>
      tpu.enqueue_dma source(%arg7 : memref<8x1024xf32, #tpu.memory_space<vmem>>) target(%dma_start3A_22 : memref<8x1024xf32, #tpu.memory_space<hbm>>) target_semaphore(%run_scoped3A : memref<!tpu.dma_semaphore, #tpu.memory_space<semaphore_mem>>)
      %dma_wait3A_23 = arith.constant 0 : i32
      %dma_wait3A_24 = tpu.memref_slice %arg4[%mul3A_2, %dma_wait3A_23] : memref<256x1024xf32, #tpu.memory_space<hbm>> -> memref<8x1024xf32, #tpu.memory_space<hbm>>
      %dma_wait3A_25 = arith.constant 0 : i32
      %dma_wait3A_26 = tpu.memref_slice %arg4[%mul3A_2, %dma_wait3A_25] : memref<256x1024xf32, #tpu.memory_space<hbm>> -> memref<8x1024xf32, #tpu.memory_space<hbm>>
      tpu.wait_dma2 semaphore(%run_scoped3A : memref<!tpu.dma_semaphore, #tpu.memory_space<semaphore_mem>>) src(%arg7 : memref<8x1024xf32, #tpu.memory_space<vmem>>) dst(%dma_wait3A_26 : memref<8x1024xf32, #tpu.memory_space<hbm>>)
      tpu.yield
    }) : () -> ()
    return
  }
}

module attributes {stable_mosaic.version = 14 : i64} {
  func.func @_mm_body(%arg0: memref<256x1024xf32, #tpu.memory_space<vmem>>, %arg1: memref<256x1024xf32, #tpu.memory_space<vmem>>, %arg2: memref<256x1024xf32, #tpu.memory_space<vmem>>, %arg3: memref<1x256xf32, #tpu.memory_space<vmem>>, %arg4: memref<256x256xf32, #tpu.memory_space<vmem>>) attributes {dimension_semantics = [], scalar_prefetch = 0 : i64, scratch_operands = 0 : i64, tpu.core_type = #tpu.core_type<tc>} {
    %get3A = arith.constant 0 : index
    %get3A_0 = arith.constant 0 : index
    %get3A_1 = vector.load %arg1[%get3A, %get3A_0] : memref<256x1024xf32, #tpu.memory_space<vmem>>, vector<256x1024xf32>
    %max3A = arith.constant 5.000000e-05 : f32
    %max3A_2 = vector.broadcast %max3A : f32 to vector<256x1024xf32>
    %max3A_3 = arith.maximumf %get3A_1, %max3A_2 : vector<256x1024xf32>
    %get3A_4 = arith.constant 0 : index
    %get3A_5 = arith.constant 0 : index
    %get3A_6 = vector.load %arg2[%get3A_4, %get3A_5] : memref<256x1024xf32, #tpu.memory_space<vmem>>, vector<256x1024xf32>
    %mul3A = arith.mulf %max3A_3, %get3A_6 : vector<256x1024xf32>
    %get3A_7 = arith.constant 0 : index
    %get3A_8 = arith.constant 0 : index
    %get3A_9 = vector.load %arg0[%get3A_7, %get3A_8] : memref<256x1024xf32, #tpu.memory_space<vmem>>, vector<256x1024xf32>
    %dot_general3A = arith.constant dense<0.000000e+00> : vector<256x256xf32>
    %dot_general3A_10 = tpu.matmul %get3A_9, %mul3A, %dot_general3A {dimension_numbers = #tpu.dot_dimension_numbers<[1], [1], [0], [0], [0, 0, 1, 0], [], []>, transpose_lhs_hint = false} : vector<256x1024xf32>, vector<256x1024xf32>, vector<256x256xf32> -> vector<256x256xf32>
    %get3A_11 = arith.constant 0 : index
    %get3A_12 = arith.constant 0 : index
    %get3A_13 = vector.load %arg3[%get3A_11, %get3A_12] : memref<1x256xf32, #tpu.memory_space<vmem>>, vector<1x256xf32>
    %add3A = vector.broadcast %get3A_13 : vector<1x256xf32> to vector<256x256xf32>
    %add3A_14 = arith.addf %dot_general3A_10, %add3A : vector<256x256xf32>
    %max3A_15 = arith.constant 0.000000e+00 : f32
    %max3A_16 = vector.broadcast %max3A_15 : f32 to vector<256x256xf32>
    %max3A_17 = arith.maximumf %add3A_14, %max3A_16 : vector<256x256xf32>
    %swap3A = arith.constant 0 : index
    %swap3A_18 = arith.constant 0 : index
    %swap3A_19 = vector.load %arg4[%swap3A, %swap3A_18] : memref<256x256xf32, #tpu.memory_space<vmem>>, vector<256x256xf32>
    tpu.vector_store %arg4[%swap3A, %swap3A_18], %max3A_17 {strides = array<i32>} : memref<256x256xf32, #tpu.memory_space<vmem>>, vector<256x256xf32>,
    return
  }
}

</mosaic_0001>

<sc_bundles>
// kernel: kernel.4.cloned.1.call-start
scs
__scs_entry_jumppad:
0x0: {  	(pc) =	sbr.rel $0x88, $3  }
0x1: {  	(tag) =	ssettag $0x0;
	lr =	simm.s32 $0x1  }
0x2: {  	[smem:$0x3F9C] =	sst lr;
	_ =	strace $0xD0000000  }
0x3: {  	_ = 	snop  }
0x4: {  	_ = 	snop  }
0x5: {  	_ = 	snop  }
0x6: {  	_ = 	snop  }
0x7: {  	_ = 	snop  }
__scs_overlays_trampoline_lowered:
0x8: {  	[smem:$0x3FAB] =	sst s0  }
0x9: {  	[smem:$0x3FAC] =	sst s1  }
0xa: {  	[smem:$0x3FAD] =	sst s2  }
0xb: {  	[smem:$0x3FAE] =	sst s3  }
0xc: {  	[smem:$0x3FAF] =	sst s4  }
0xd: {  	[smem:$0x3FB0] =	sst s5  }
0xe: {  	[smem:$0x3FB1] =	sst s6  }
0xf: {  	[smem:$0x3FB2] =	sst s7  }
0x10: {  	[smem:$0x3FB3] =	sst s8  }
0x11: {  	[smem:$0x3FB4] =	sst s9;
	s0 =	simm.s32 @!p0 $0x0  }
0x12: {  	s1 =	sld [smem:$0x3F9A];
	s0 =	simm.s32 @p0 $0x1  }
0x13: {  	[smem:$0x3FB5] =	sst s0;
	s0 =	simm.s32 @!p1 $0x0  }
0x14: {  	s2 =	sld [smem:$0x3F99];
	s0 =	simm.s32 @p1 $0x1  }
0x15: {  	[smem:$0x3FB6] =	sst s0;
	s0 =	simm.s32 @!p2 $0x0  }
0x16: {  	s3 =	sld [smem:$0x3FDB];
	s0 =	simm.s32 @p2 $0x1  }
0x17: {  	s4 =	simm.s32 $0x1BF5;
	[smem:$0x3FB8] =	sst s0  }
0x18: {  	s0 =	sld [smem:$0x3F9B];
	_ =	swait.ge [sflag:s4], $0x0  }
0x19: {  	s7 =	sld [smem:$0x3F9C]  }
0x1a: {  	s8 =	sadd.s32 $0xFFFFE003, lr  }
0x1b: {  	s9 =	sadd.s32 $0xFFFFFEF7, lr;
	s5 =	simm.s32 $0xFFFFFFFF;
	p2 =	slt.u32 s8, $0xFFFFF086  }
0x1c: {  	p1 =	slt.u32 s9, $0xF7A;
	s5 =	simm.s32 @!p2 $0x0  }
0x1d: {  	s5 =	simm.s32 @p1 $0x1;
	p0 =	seq.s32 s7, s2  }
0x1e: {  	s7 =	smul.u32 @!p0 $0xF7A, s2;
	p2 =	seq.s32 @!p0 s5, $0x0  }
0x1f: {  	s9 =	smul.u32 $0xF7A, s1;
	s8 =	simm.s32 @!p0 $0x1BF5;
	p2 =	por !p2, p0  }
0x20: {  	[sflag:s8] =	ssyncset.s32 @!p0 $0xFFFFF086;
	s6 =	sadd.s32 @!p0 s3, s7;
	s7 =	simm.s32 @!p0 $0x108  }
0x21: {  	s3 =	sadd.s32 s3, s9;
	s6 =	sadd.s32 @!p0 $0x88, s6;
	s7 =	simm.s32 @p2 $0x1082  }
0x22: {  	[simem:s7], [sflag:s8] =	dma.local @!p0 [hbm:s6], $0xF7A  }
0x23: {  	s9 =	sor.u32 $0xD0000000, s2;
	s6 =	simm.s32 $0x108;
	_ =	swait.ge @!p0 [sflag:s8], $0x0  }
0x24: {  	s3 =	sadd.s32 $0x88, s3;
	s6 =	simm.s32 @!p1 $0x1082;
	[sflag:s4] =	ssyncset.s32 $0xFFFFF086  }
0x25: {  	[simem:s6], [sflag:s4] =	dma.local [hbm:s3], $0xF7A  }
0x26: {  	[smem:$0x3F9C] =	sst s1;
	(tag) =	ssettag s2;
	_ =	strace s9  }
0x27: {  	s1 =	sld [smem:$0x3FAC]  }
0x28: {  	s2 =	sld [smem:$0x3FAD]  }
0x29: {  	s4 =	sld [smem:$0x3FAF]  }
0x2a: {  	p0 =	seq.s32 s5, $0x0;
	s5 =	sld [smem:$0x3FB0]  }
0x2b: {  	s6 =	sld [smem:$0x3FB1]  }
0x2c: {  	s7 =	sld [smem:$0x3FB2]  }
0x2d: {  	s3 =	simm.s32 $0x108;
	s8 =	sld [smem:$0x3FB3]  }
0x2e: {  	s3 =	simm.s32 @!p0 $0x1082;
	s9 =	sld [smem:$0x3FB4]  }
0x2f: {  	lr =	sadd.s32 s0, s3;
	s0 =	sld [smem:$0x3FAB]  }
0x30: {  	s3 =	sld [smem:$0x3FAE]  }
0x31: {  	[smem:$0x3FB7] =	sst s10  }
0x32: {  	s10 =	sld [smem:$0x3FB5];
	_ =	sdelay $0x3  }
0x33: {  	p0 =	seq.s32 s10, $0x1;
	s10 =	sld [smem:$0x3FB7];
	_ =	sdelay $0x3  }
0x34: {  	[smem:$0x3FB7] =	sst s10  }
0x35: {  	s10 =	sld [smem:$0x3FB6];
	_ =	sdelay $0x3  }
0x36: {  	p1 =	seq.s32 s10, $0x1;
	s10 =	sld [smem:$0x3FB7];
	_ =	sdelay $0x3  }
0x37: {  	[smem:$0x3FB7] =	sst s10  }
0x38: {  	s10 =	sld [smem:$0x3FB8]  }
0x39: {  	_ = 	snop;
	(pc) =	sbr.ind lr, $3  }
0x3a: {  	_ = 	snop  }
0x3b: {  	_ = 	snop  }
0x3c: {  	p2 =	seq.s32 s10, $0x1;
	s10 =	sld [smem:$0x3FB7]  }
0x3d: {  	_ =	shalt  }
0x3e: {  	_ =	shalt  }
0x3f: {  	_ =	shalt  }
0x40: {  	_ =	shalt  }
0x41: {  	_ =	shalt  }
0x42: {  	_ =	shalt  }
0x43: {  	_ =	shalt  }
0x44: {  	_ =	shalt  }
0x45: {  	_ =	shalt  }
0x46: {  	_ =	shalt  }
0x47: {  	_ =	shalt  }
0x48: {  	_ =	shalt  }
0x49: {  	_ =	shalt  }
0x4a: {  	_ =	shalt  }
0x4b: {  	_ =	shalt  }
0x4c: {  	_ =	shalt  }
0x4d: {  	_ =	shalt  }
0x4e: {  	_ =	shalt  }
0x4f: {  	_ =	shalt  }
0x50: {  	_ =	shalt  }
0x51: {  	_ =	shalt  }
0x52: {  	_ =	shalt  }
0x53: {  	_ =	shalt  }
0x54: {  	_ =	shalt  }
0x55: {  	_ =	shalt  }
0x56: {  	_ =	shalt  }
0x57: {  	_ =	shalt  }
0x58: {  	_ =	shalt  }
0x59: {  	_ =	shalt  }
0x5a: {  	_ =	shalt  }
0x5b: {  	_ =	shalt  }
0x5c: {  	_ =	shalt  }
0x5d: {  	_ =	shalt  }
0x5e: {  	_ =	shalt  }
0x5f: {  	_ =	shalt  }
0x60: {  	_ =	shalt  }
0x61: {  	_ =	shalt  }
0x62: {  	_ =	shalt  }
0x63: {  	_ =	shalt  }
0x64: {  	_ =	shalt  }
0x65: {  	_ =	shalt  }
0x66: {  	_ =	shalt  }
0x67: {  	_ =	shalt  }
0x68: {  	_ =	shalt  }
0x69: {  	_ =	shalt  }
0x6a: {  	_ =	shalt  }
0x6b: {  	_ =	shalt  }
0x6c: {  	_ =	shalt  }
0x6d: {  	_ =	shalt  }
0x6e: {  	_ =	shalt  }
0x6f: {  	_ =	shalt  }
0x70: {  	_ =	shalt  }
0x71: {  	_ =	shalt  }
0x72: {  	_ =	shalt  }
0x73: {  	_ =	shalt  }
0x74: {  	_ =	shalt  }
0x75: {  	_ =	shalt  }
0x76: {  	_ =	shalt  }
0x77: {  	_ =	shalt  }
0x78: {  	_ =	shalt  }
0x79: {  	_ =	shalt  }
0x7a: {  	_ =	shalt  }
0x7b: {  	_ =	shalt  }
0x7c: {  	_ =	shalt  }
0x7d: {  	_ =	shalt  }
0x7e: {  	_ =	shalt  }
0x7f: {  	_ =	shalt  }
0x80: {  	_ =	shalt  }
0x81: {  	_ =	shalt  }
0x82: {  	_ =	shalt  }
0x83: {  	_ =	shalt  }
0x84: {  	_ =	shalt  }
0x85: {  	_ =	shalt  }
0x86: {  	_ =	shalt  }
0x87: {  	_ =	shalt  }
.Lfunc_end0:
.L_simem_size_0:
called_computation_lowered:
.L_overlay_start_0:
0x88: {  	s2 =	sld [smem:$0x3FD9]  }
0x89: {  	s3 =	sld [smem:$0x3FFE];
	_ =	sdelay $0x1  }
0x8a: {  	s1 =	srdreg.scid  }
0x8b: {  	s0 =	sand.u32 $0x1, s1  }
0x8c: {  	s17 =	sshll.u32 s0, $0xA;
	s2 =	sadd.s32 s3, s2  }
0x8d: {  	s2 =	sadd.s32 s2, s17  }
0x8e: {  	[smem:$0x3FC3] =	sst s2  }
0x8f: {  	_ = 	snop  }
0x90: {  	s2 =	sld [smem:$0x3FC5]  }
0x91: {  	s18 =	sld [smem:$0x3FD0];
	(tm) =	ssettm $0x1  }
0x92: {  	s4 =	sld [smem:$0x3FFB];
	_ =	sdelay $0x3  }
0x93: {  	_ =	strace s4  }
0x94: {  	s4 =	sld [smem:$0x3FFC];
	_ =	sdelay $0x3  }
0x95: {  	_ =	strace s4  }
0x96: {  	s4 =	sld [smem:$0x3FFD];
	_ =	sdelay $0x3  }
0x97: {  	_ =	strace s4  }
0x98: {  	_ =	strace $0x8FFFFFFF  }
0x99: {  	s19 =	sld [smem:$0x3FDB];
	_ =	sdelay $0x1  }
0x9a: {  	s5 =	simm.s32 $_scs_section_size  }
0x9b: {  	s6 =	simm.s32 $_size__tile_overlayer_lowered;
	s7 =	simm.s32 $_tile_overlayer_lowered  }
0x9c: {  	s22 =	simm.s32 $0x1BFF;
	s21 =	sshll.u32 s7, $0x1;
	s4 =	sadd.s32 s5, s19  }
0x9d: {  	s8 =	simm.s32 $0x0;
	s20 =	sshll.u32 s6, $0x1;
	s6 =	sadd.s32 s21, s4  }
0x9e: {  	[timem:s8], [sflag:s22] =	dma.local [hbm:s6], s20  }
0x9f: {  	_ =	swait.ge [sflag:s22], s20  }
0xa0: {  	s5 =	ssub.s32 $0x0, s20;
	[sflag:s22] =	ssyncset.done $0x0  }
0xa1: {  	[sflag:s22] =	ssyncadd.s32 s5;
	_ =	sdelay $0x1  }
0xa2: {  	s23 =	simm.s32 $0x1B8B  }
0xa3: {  	_ =	swait.ge [sflag:s23], $0x1  }
0xa4: {  	[sflag:s23] =	ssyncset.done $0x0  }
0xa5: {  	s25 =	simm.s32 $0x1B8E;
	s24 =	sld [smem:$0x3FFE];
	[sflag:s23] =	ssyncadd.s32 $0xFFFFFFFF  }
0xa6: {  	s26 =	simm.s32 $execute0_lowered;
	[smem:$0x3FD2] =	sst s25  }
0xa7: {  	s6 =	sshll.u32 s26, $0x1;
	_ =	strace $0x80000046;
	[dreg:$0x1] =	wrdreg $0xFFFFFFFF  }
0xa8: {  	s28 =	simm.s32 $_size_execute0_lowered;
	s4 =	sadd.s32 s4, s6;
	[dreg:$0x0] =	wrdreg $0x0  }
0xa9: {  	s6 =	sshll.u32 s28, $0x1;
	[dreg:$0x2] =	wrdreg s4  }
0xaa: {  	[dreg:$0x3] =	wrdreg s6  }
0xab: {  	[dreg:$0x4] =	wrdreg $0xC0  }
0xac: {  	_ =	task [dreg:s8], $0x5FFFF  }
0xad: {  	[dreg:$0x1] =	wrdreg $0xFFFFFFFF  }
0xae: {  	[dreg:$0x0] =	wrdreg $0x60  }
0xaf: {  	[dreg:$0x2] =	wrdreg s2  }
0xb0: {  	[dreg:$0x3] =	wrdreg s18  }
0xb1: {  	[dreg:$0x4] =	wrdreg s24  }
0xb2: {  	[dreg:$0x5] =	wrdreg $0x9  }
0xb3: {  	_ =	task.clear_ibuf [dreg:s8], $0x6FFFF;
	_ =	strace $0x90000046  }
0xb4: {  	s29 =	simm.s32 $0x9;
	_ =	strace $0x80000048  }
0xb5: {  	_ =	swait.ge [sflag:s29], $0x1  }
0xb6: {  	[sflag:s29] =	ssyncadd.s32 $0xFFFFFFFF  }
0xb7: {  	_ =	strace $0x90000048  }
0xb8: {  	_ =	sfence  }
0xb9: {  	s30 =	sld [smem:$0x0];
	_ =	sdelay $0x2  }
0xba: {  	s31 =	sshll.u32 s1, $0xD;
	s1 =	sshrl.u32 s1, $0x2  }
0xbb: {  	s3 =	sand.u32 $0x4000, s31;
	s1 =	sadd.s32 s1, s30  }
0xbc: {  	s0 =	sor.u32 s3, s0;
	s1 =	sshll.u32 s1, $0x11  }
0xbd: {  	s0 =	sor.u32 s1, s0  }
0xbe: {  	s0 =	sadd.s32 $0x8F2B, s0  }
0xbf: {  	[sflag:s0] =	ssyncadd.remote.s32 $0x1  }
0xc0: {  	_ =	sfence.sel $0xFFFF  }
0xc1: {  	[dreg:$0x0] =	wrdreg $0xFFFFFFFF;
	(pc) =	sbr.abs _section_cstart, $3  }
0xc2: {  	[dreg:$0x1] =	wrdreg $0xFFFFFFFF  }
0xc3: {  	_ =	task.clear_ibuf [dreg:s8], $0x2FFFF;
	_ =	strace $0x9FFFFFFF  }
0xc4: {  	(tm) =	ssettm $0x7FFFFFFF  }
0xc5: {  	_ =	shalt  }
tec
execute0_lowered:
.L_overlay_start_1:
0x0: {  	(tag) =	ssettag $0x1  }
0x1: {  	s4 =	rddreg [dreg:$0x0]  }
0x2: {  	s3 =	rddreg [dreg:$0x1]  }
0x3: {  	s5 =	rddreg [dreg:$0x2]  }
0x4: {  	s0 =	rddreg [dreg:$0x3]  }
0x5: {  	s2 =	simm.s32 $0x0;
	s6 =	srdreg.scid;
	s1 =	stileid.u32  }
0x6: {  	s10 =	simm.s32 $0x2400;
	s11 =	simm.s32 $0x3;
	s12 =	simm.s32 $0x0  }
0x7: {  	[smem:$0x7FF] =	sst s2;
	s6 =	sand.u32 $0x1, s6;
	s7 =	sshll.u32 s1, $0x1  }
0x8: {  	_ =	strace $0x80000047;
	s7 =	sor.u32 s6, s7;
	s6 =	ssub.s32 $0x2, s6  }
0x9: {  	s8 =	sshll.u32 s7, $0xA;
	s9 =	sshrl.u32 s6, $0x1;
	s7 =	sshll.u32 s7, $0x7  }
0xa: {  	s5 =	sadd.s32 s8, s5;
	s6 =	ssub.s32 s6, s9;
	s3 =	sadd.s32 s3, s7  }
0xb: {  	s4 =	sadd.s32 s4, s8;
	s7 =	simm.s32 $0x400;
	s8 =	simm.s32 $0x1  }
0xc: {  	s9 =	simm.s32 $0x2;
	s5 =	sadd.s32 $0xC00, s5;
	s6 =	smax.u32 s6, $0x1  }
.LBB2_1:
0xd: {  	[tilespmem:s2], [sflag:$0x1] =	stream.linear.gather [hbm4b:s3+s2], $0x400, $0x38;
	[tilespmem:$0x4400] =	vst v63  }
0xe: {  	_ = 	snop  }
0xf: {  	[tilespmem:s7], [sflag:$0x2] =	stream.linear.gather [hbm4b:s4+s2], $0x2000, $0x38;
	[tilespmem:$0x4400] =	vst v63  }
0x10: {  	s13 =	simm.s32 $0x0;
	_ =	swait.ge [sflag:s8], $0x400  }
0x11: {  	s14 =	simm.s32 $0x0;
	s13 =	sand.u32 $0xFFFFE000, s13;
	[sflag:s8] =	ssyncset.done $0x0  }
0x12: {  	s15 =	simm.s32 $0x0;
	s13 =	ssub.s32 $0x0, s13;
	[sflag:s8] =	ssyncadd.s32 $0xFFFFFC00  }
0x13: {  	s16 =	sand.u32 $0x1FFFFF80, s14;
	s13 =	sand.u32 $0xFFFFFC00, s13;
	_ =	swait.ge [sflag:s9], $0x2000  }
0x14: {  	s21 =	sand.u32 $0x40, s15;
	s13 =	sadd.s32 s16, s13;
	[sflag:s9] =	ssyncset.done $0x0  }
0x15: {  	s14 =	sor.u32 s21, s13;
	[sflag:s9] =	ssyncadd.s32 $0xFFFFE000  }
0x16: {  	v0 =	vld [tilespmem:s14+$0x430]  }
0x17: {  	s22 =	simm.s32 $0x200;
	v1 =	vld [tilespmem:s14+$0x400]  }
0x18: {  	s13 =	sand.u32 $0xFFFFE000, s22  }
0x19: {  	s23 =	simm.s32 $0x8;
	s13 =	ssub.s32 $0x200, s13  }
0x1a: {  	s17 =	simm.s32 $0x40;
	s18 =	sand.u32 $0x1FFFFF80, s23;
	s13 =	sand.u32 $0xFFFFFC00, s13  }
0x1b: {  	s24 =	sand.u32 $0x40, s17;
	s13 =	sadd.s32 s18, s13;
	v2 =	vld [tilespmem:s14+$0x410];
	v3 =	vand.u32 $0xFFFFFF80, v0  }
0x1c: {  	s13 =	sor.u32 s24, s13;
	v6 =	vld [tilespmem:s14+$0x420];
	v4 =	vand.u32 $0xFFFFFF80, v1;
	v0 =	vand.u32 $0x7F, v0;
	v3 =	vadd.s32 s16, v3  }
0x1d: {  	v5 =	vld [tilespmem:s13+$0x430];
	v1 =	vand.u32 $0x7F, v1;
	v4 =	vadd.s32 s16, v4;
	v0 =	vor.u32 v0, v3  }
0x1e: {  	s25 =	simm.s32 $0x400;
	v1 =	vor.u32 v1, v4  }
0x1f: {  	s15 =	sand.u32 $0xFFFFE000, s25;
	v3 =	vld [tilespmem:s13+$0x400]  }
0x20: {  	s26 =	simm.s32 $0x10;
	s15 =	ssub.s32 $0x400, s15;
	v7 =	vld [tilespmem:s13+$0x410]  }
0x21: {  	s19 =	simm.s32 $0x80;
	s20 =	sand.u32 $0x1FFFFF80, s26;
	s15 =	sand.u32 $0xFFFFFC00, s15;
	v8 =	vld [tilespmem:s13+$0x420];
	v10 =	vand.u32 $0xFFFFFF80, v6;
	v6 =	vand.u32 $0x7F, v6;
	v4 =	vand.u32 $0xFFFFFF80, v2  }
0x22: {  	s28 =	sand.u32 $0x40, s19;
	s15 =	sadd.s32 s20, s15;
	v9 =	vand.u32 $0xFFFFFF80, v5;
	v2 =	vand.u32 $0x7F, v2;
	v4 =	vadd.s32 s16, v4;
	v11 =	vld.idx.msk [tilespmem:v0+s2+$0x0], $0xffff  }
0x23: {  	s15 =	sor.u32 s28, s15;
	v4 =	vor.u32 v2, v4;
	v0 =	vand.u32 $0x7F, v5;
	v5 =	vadd.s32 s18, v9;
	v12 =	vld.idx.msk [tilespmem:v1+s2+$0x0], $0xffff  }
0x24: {  	v1 =	vadd.s32 s16, v10;
	v2 =	vand.u32 $0xFFFFFF80, v3;
	v0 =	vor.u32 v0, v5;
	v5 =	vld [tilespmem:s15+$0x430]  }
0x25: {  	s29 =	simm.s32 $0x600;
	v10 =	vld [tilespmem:s15+$0x400];
	v6 =	vor.u32 v6, v1;
	v1 =	vadd.s32 s18, v2;
	v2 =	vand.u32 $0x7F, v3  }
0x26: {  	v13 =	vld [tilespmem:s15+$0x410];
	s16 =	sand.u32 $0xFFFFE000, s29;
	v3 =	vand.u32 $0xFFFFFF80, v7;
	v14 =	vor.u32 v2, v1  }
0x27: {  	s30 =	simm.s32 $0x18;
	v15 =	vld [tilespmem:s15+$0x420];
	s16 =	ssub.s32 $0x600, s16;
	v1 =	vadd.s32 s18, v3;
	v2 =	vand.u32 $0xFFFFFF80, v8;
	v3 =	vand.u32 $0x7F, v7  }
0x28: {  	s17 =	sand.u32 $0x1FFFFF80, s30;
	v7 =	vand.u32 $0x7F, v8;
	s16 =	sand.u32 $0xFFFFFC00, s16;
	v8 =	vadd.s32 s18, v2;
	v1 =	vor.u32 v3, v1;
	s18 =	simm.s32 $0xC0;
	v3 =	vld.idx.msk [tilespmem:v4+s2+$0x0], $0xffff  }
0x29: {  	s16 =	sadd.s32 s17, s16;
	s31 =	sand.u32 $0x40, s18;
	v2 =	vld.idx.msk [tilespmem:v0+s2+$0x0], $0xffff;
	v0 =	vor.u32 v7, v8;
	v7 =	vand.u32 $0xFFFFFF80, v5  }
0x2a: {  	s16 =	sor.u32 s31, s16;
	v8 =	vand.u32 $0xFFFFFF80, v10;
	v5 =	vand.u32 $0x7F, v5;
	v4 =	vld.idx.msk [tilespmem:v6+s2+$0x0], $0xffff;
	v7 =	vadd.s32 s20, v7  }
0x2b: {  	[tilespmem:s14+$0x2430] =	vst v11;
	v11 =	vand.u32 $0x7F, v10;
	v9 =	vadd.s32 s20, v8;
	v8 =	vld [tilespmem:s16+$0x430];
	v7 =	vor.u32 v5, v7  }
0x2c: {  	[tilespmem:s14+$0x2400] =	vst v12;
	v12 =	vand.u32 $0x7F, v15;
	v6 =	vand.u32 $0xFFFFFF80, v13;
	v5 =	vld.idx.msk [tilespmem:v14+s2+$0x0], $0xffff;
	v14 =	vand.u32 $0xFFFFFF80, v15  }
0x2d: {  	s19 =	simm.s32 $0x600;
	s21 =	simm.s32 $0x100;
	v13 =	vand.u32 $0x7F, v13;
	v10 =	vadd.s32 s20, v6;
	v6 =	vld [tilespmem:s16+$0x400];
	v14 =	vadd.s32 s20, v14  }
.LBB2_2:
0x2e: {  	s20 =	sshll.u32 s21, $0x3;
	v15 =	vld [tilespmem:s16+$0x410];
	v11 =	vor.u32 v11, v9;
	v9 =	vor.u32 v13, v10;
	v10 =	vor.u32 v12, v14;
	[tilespmem:s13+$0x2430] =	vst v2  }
0x2f: {  	s18 =	sadd.s32 $0x40, s18;
	s19 =	sadd.s32 $0x200, s19;
	s20 =	sand.u32 $0xFFFFE000, s20;
	v12 =	vld [tilespmem:s16+$0x420];
	[tilespmem:s14+$0x2410] =	vst v3  }
0x30: {  	s22 =	sshrl.u32 s18, $0x3;
	p0 =	slt.u32 s18, $0x1FC0;
	s20 =	ssub.s32 s19, s20;
	v2 =	vld.idx.msk [tilespmem:v7+s2+$0x0], $0xffff;
	[tilespmem:s14+$0x2420] =	vst v4  }
.Ltmp0:
0x31: {  	s14 =	sand.u32 $0xFFFFFC00, s20;
	s20 =	sand.u32 $0x1FFFFF80, s22;
	v4 =	vand.u32 $0xFFFFFF80, v8;
	[tilespmem:s13+$0x2400] =	vst v5;
	v3 =	vld.idx.msk [tilespmem:v1+s2+$0x0], $0xffff;
	v1 =	vmov v9;
	(pc) =	sbr.rel @p0 .LBB2_2-.Ltmp0, $4  }
0x32: {  	s22 =	sand.u32 $0x40, s18;
	v7 =	vand.u32 $0x7F, v8;
	s23 =	sadd.s32 s20, s14;
	v5 =	vand.u32 $0xFFFFFF80, v6;
	v8 =	vadd.s32 s17, v4;
	v4 =	vld.idx.msk [tilespmem:v0+s2+$0x0], $0xffff;
	v0 =	vmovc v10;
	s14 =	smov.u32 s13  }
0x33: {  	s13 =	smov.u32 s15;
	s15 =	smov.u32 s16;
	v9 =	vadd.s32 s17, v5;
	v10 =	vand.u32 $0xFFFFFF80, v15;
	v7 =	vor.u32 v7, v8;
	v5 =	vld.idx.msk [tilespmem:v11+s2+$0x0], $0xffff;
	s16 =	sor.u32 s22, s23  }
0x34: {  	v11 =	vand.u32 $0x7F, v6;
	v8 =	vld [tilespmem:s16+$0x430];
	v10 =	vadd.s32 s17, v10;
	v14 =	vand.u32 $0xFFFFFF80, v12  }
0x35: {  	s21 =	sadd.s32 $0x40, s21;
	v13 =	vand.u32 $0x7F, v15;
	v12 =	vand.u32 $0x7F, v12;
	v6 =	vld [tilespmem:s16+$0x400];
	v14 =	vadd.s32 s17, v14;
	s17 =	smov.u32 s20  }
0x36: {  	v15 =	vld [tilespmem:s16+$0x410]  }
0x37: {  	v16 =	vld [tilespmem:s16+$0x420];
	_ =	sdelay $0x1  }
0x38: {  	v9 =	vor.u32 v11, v9;
	v10 =	vor.u32 v13, v10;
	v17 =	vand.u32 $0xFFFFFF80, v8  }
0x39: {  	v48 =	vor.u32 v12, v14;
	v46 =	vand.u32 $0x7F, v8;
	v47 =	vadd.s32 s17, v17  }
0x3a: {  	v7 =	vld.idx.msk [tilespmem:v7+s2+$0x0], $0xffff;
	v49 =	vand.u32 $0xFFFFFF80, v6;
	v52 =	vand.u32 $0x7F, v6;
	v8 =	vor.u32 v46, v47  }
0x3b: {  	[tilespmem:s13+$0x2430] =	vst v2;
	v1 =	vld.idx.msk [tilespmem:v1+s2+$0x0], $0xffff;
	v50 =	vand.u32 $0xFFFFFF80, v15;
	v51 =	vadd.s32 s17, v49;
	v54 =	vand.u32 $0xFFFFFF80, v16  }
0x3c: {  	[tilespmem:s14+$0x2410] =	vst v3;
	v0 =	vld.idx.msk [tilespmem:v0+s2+$0x0], $0xffff;
	v55 =	vand.u32 $0x7F, v15;
	v53 =	vadd.s32 s17, v50;
	v2 =	vor.u32 v52, v51  }
0x3d: {  	[tilespmem:s14+$0x2420] =	vst v4;
	v56 =	vld.idx.msk [tilespmem:v9+s2+$0x0], $0xffff;
	v57 =	vand.u32 $0x7F, v16;
	v3 =	vadd.s32 s17, v54;
	v58 =	vor.u32 v55, v53  }
0x3e: {  	[tilespmem:s13+$0x2400] =	vst v5;
	v60 =	vld.idx.msk [tilespmem:v10+s2+$0x0], $0xffff;
	v3 =	vor.u32 v57, v3  }
0x3f: {  	[tilespmem:s15+$0x2430] =	vst v7;
	v61 =	vld.idx.msk [tilespmem:v48+s2+$0x0], $0xffff  }
0x40: {  	[tilespmem:s13+$0x2410] =	vst v1;
	v59 =	vld.idx.msk [tilespmem:v8+s2+$0x0], $0xffff  }
0x41: {  	[tilespmem:s13+$0x2420] =	vst v0;
	v62 =	vld.idx.msk [tilespmem:v2+s2+$0x0], $0xffff  }
0x42: {  	[tilespmem:s15+$0x2400] =	vst v56;
	v63 =	vld.idx.msk [tilespmem:v58+s2+$0x0], $0xffff  }
0x43: {  	[tilespmem:s15+$0x2410] =	vst v60;
	v3 =	vld.idx.msk [tilespmem:v3+s2+$0x0], $0xffff  }
0x44: {  	[tilespmem:s15+$0x2420] =	vst v61  }
0x45: {  	[tilespmem:s16+$0x2430] =	vst v59  }
0x46: {  	s12 =	sadd.s32 $0x1, s12;
	[tilespmem:s16+$0x2400] =	vst v62  }
0x47: {  	p0 =	sne.s32 s12, s6;
	[tilespmem:s16+$0x2410] =	vst v63  }
.Ltmp1:
0x48: {  	[tilespmem:s16+$0x2420] =	vst v3;
	(pc) =	sbr.rel @p0 .LBB2_1-.Ltmp1, $4  }
0x49: {  	[hbm4b:s5+s2] =	stream.linear.scatter [tilespmem:s10], [sflag:$0x3], $0x2000, $0x38;
	[tilespmem:$0x4400] =	vst v63  }
0x4a: {  	_ =	swait.ge [sflag:s11], $0x2000  }
0x4b: {  	[sflag:s11] =	ssyncset.done $0x0  }
0x4c: {  	[sflag:s11] =	ssyncadd.s32 $0xFFFFE000  }
0x4d: {  	_ =	sfence.sel $0x180000  }
0x4e: {  	[bflag:$0x0] =	sbarrier.arrive $0xFFFF  }
0x4f: {  	p0 =	sne.s32 s1, $0x0;
	_ =	strace $0x90000047  }
0x50: {  	s0 =	sadd.s32 @!p0 $0x100000, s0;
	[bflag:$0x2] =	sbarrier.arrive $0xFFFF  }
0x51: {  	[sflag:s0] =	ssyncadd.tile.s32 @!p0 $0x1;
	_ =	shalt  }
.Lfunc_end2:
_tile_overlayer_lowered:
.L_overlay_start_2:
0x52: {  	(tag) =	ssettag $0x2  }
0x53: {  	s0 =	rddreg [dreg:$0x0];
	s2 =	stileid.u32  }
0x54: {  	s1 =	rddreg [dreg:$0x1];
	p0 =	sne.s32 s2, $0x0  }
0x55: {  	s3 =	rddreg [dreg:$0x2];
	[bflag:$0x3] =	sbarrier.arrive $0xFFFF;
	s2 =	simm.s32 @!p0 $0x1C03  }
0x56: {  	[timem:s3], [sflag:s2] =	dma.local @!p0 [hbm:s0], s1  }
0x57: {  	s0 =	simm.s32 @!p0 $0x3  }
0x58: {  	_ =	swait.ge @!p0 [sflag:s0], s1  }
0x59: {  	s1 =	ssub.s32 @!p0 $0x0, s1;
	[sflag:s0] =	ssyncset.done @!p0 $0x0  }
0x5a: {  	[sflag:s0] =	ssyncadd.s32 @!p0 s1  }
0x5b: {  	[bflag:$0x3] =	sbarrier.arrive $0xFFFF  }
0x5c: {  	_ =	shalt  }

</sc_bundles>
